<compile_context>
chip_gen: v7x
topology: tpu7x:2x2x1
jax: 0.10.2.dev20260603
libtpu: 0.0.44.dev20260713+nightly
codegen_flags: <defaults>
</compile_context>

<pallas_src>
import functools

import jax
import jax.numpy as jnp
from jax import lax
from jax.experimental import pallas as pl
from jax.experimental.pallas import tpu as pltpu
from jax.experimental.pallas import tpu_sc as plsc

_NUM_CLASSES = 100000
_HIDDEN = 64
_CTX = 16
_B, _L = 16384, 200
_N = _B * _L

_ROWS_BLK = 2000

_NW = 32
_PER_W = _N // _NW
_C = 1600
_CHUNKS = _PER_W // _C
_SH_BLK = 6256

_MASK_BLK = 8192


def _table_body(emb_ref, w1_ref, b1_ref, w2_ref, b2_ref, out_ref):
    z = jnp.maximum(emb_ref[...], 0.0)
    h = jnp.dot(z, w1_ref[...], preferred_element_type=jnp.float32) + b1_ref[...]
    h = jnp.maximum(h, 0.0)
    out_ref[...] = (
        jnp.dot(h, w2_ref[...], preferred_element_type=jnp.float32) + b2_ref[...]
    ).astype(jnp.bfloat16)


def _build_table(emb, W1, b1, W2, b2):
    grid = _NUM_CLASSES // _ROWS_BLK
    return pl.pallas_call(
        _table_body,
        grid=(grid,),
        in_specs=[
            pl.BlockSpec((_ROWS_BLK, _HIDDEN), lambda i: (i, 0)),
            pl.BlockSpec((_HIDDEN, _HIDDEN), lambda i: (0, 0)),
            pl.BlockSpec((1, _HIDDEN), lambda i: (0, 0)),
            pl.BlockSpec((_HIDDEN, _CTX), lambda i: (0, 0)),
            pl.BlockSpec((1, _CTX), lambda i: (0, 0)),
        ],
        out_specs=pl.BlockSpec((_ROWS_BLK, _CTX), lambda i: (i, 0)),
        out_shape=jax.ShapeDtypeStruct((_NUM_CLASSES, _CTX), jnp.bfloat16),
    )(emb, W1, b1.reshape(1, _HIDDEN), W2, b2.reshape(1, _CTX))


def _sc_body(table_hbm, x_hbm, out_hbm, table_sh, idx_v, rows_v, sem):
    sid = lax.axis_index("s")
    wid = sid * 2 + lax.axis_index("c")
    base = wid * _PER_W

    start = sid * _SH_BLK
    last = _NUM_CLASSES - 15 * _SH_BLK

    @pl.when(sid < 15)
    def _():
        pltpu.sync_copy(
            table_hbm.at[pl.ds(start, _SH_BLK)], table_sh.at[pl.ds(start, _SH_BLK)]
        )

    @pl.when(sid == 15)
    def _():
        pltpu.sync_copy(
            table_hbm.at[pl.ds(15 * _SH_BLK, last)],
            table_sh.at[pl.ds(15 * _SH_BLK, last)],
        )

    plsc.subcore_barrier()

    def chunk(i, carry):
        off = base + i * _C
        pltpu.sync_copy(x_hbm.at[pl.ds(off, _C)], idx_v)
        pltpu.async_copy(table_sh.at[idx_v], rows_v, sem).wait()
        pltpu.sync_copy(rows_v, out_hbm.at[pl.ds(off, _C)])
        return carry

    lax.fori_loop(0, _CHUNKS, chunk, 0)


def _gather(table, xf):
    mesh = plsc.VectorSubcoreMesh(core_axis_name="c", subcore_axis_name="s")
    k = functools.partial(
        pl.kernel,
        mesh=mesh,
        out_type=jax.ShapeDtypeStruct((_N, _CTX), jnp.bfloat16),
        scratch_types=[
            pltpu.VMEM_SHARED((_NUM_CLASSES, _CTX), jnp.bfloat16),
            pltpu.VMEM((_C,), jnp.int32),
            pltpu.VMEM((_C, _CTX), jnp.bfloat16),
            pltpu.SemaphoreType.DMA,
        ],
        compiler_params=pltpu.CompilerParams(use_tc_tiling_on_sc=False),
    )(_sc_body)
    return k(table, xf)


_B_BLK = 128


def _mask_body(rows_ref, mask_ref, out_ref):
    r = rows_ref[...].astype(jnp.float32)
    v = r * mask_ref[...][:, :, None]
    out_ref[...] = v.reshape(_B_BLK, _L * _CTX).T


def _apply_mask(rows, mask2d):
    grid = _B // _B_BLK
    out2d = pl.pallas_call(
        _mask_body,
        grid=(grid,),
        in_specs=[
            pl.BlockSpec((_B_BLK, _L, _CTX), lambda i: (i, 0, 0)),
            pl.BlockSpec((_B_BLK, _L), lambda i: (i, 0)),
        ],
        out_specs=pl.BlockSpec((_L * _CTX, _B_BLK), lambda i: (0, i)),
        out_shape=jax.ShapeDtypeStruct((_L * _CTX, _B), jnp.float32),
    )(rows.reshape(_B, _L, _CTX), mask2d)
    return out2d.reshape(_L, _CTX, _B).transpose(2, 0, 1)


def kernel(x, mask, emb, W1, b1, W2, b2):
    table = _build_table(emb, W1, b1, W2, b2)
    rows = _gather(table, x.reshape(_N))
    return _apply_mask(rows, mask)

# --- scband reference (transcript-rebuilt; emitter-appended) ---
"""Pipeline reference for scband-context-net-9998683865621 (READ-ONLY COPY).

The authoritative reference and input builder live on the scoring server;
editing this copy changes nothing except your own understanding.
"""

import jax, jax.numpy as jnp
import numpy as np

NUM_CLASSES = 100000
HIDDEN_DIM = 64
CONTEXT_DIM = 16
B, L = 16384, 200


def setup_inputs(seed: int = 0) -> dict:
    key = jax.random.key(seed)
    ks = jax.random.split(key, 6)
    x = jax.random.randint(ks[0], (B, L), 0, NUM_CLASSES, dtype=jnp.int64 if jax.config.jax_enable_x64 else jnp.int32).astype(jnp.int32)
    mask = jax.random.uniform(ks[1], (B, L), dtype=jnp.float32)
    emb = jax.random.normal(ks[2], (NUM_CLASSES, HIDDEN_DIM), dtype=jnp.float32) * 0.02
    W1 = jax.random.normal(ks[3], (HIDDEN_DIM, HIDDEN_DIM), dtype=jnp.float32) * 0.05
    b1 = jnp.zeros((HIDDEN_DIM,), dtype=jnp.float32)
    W2 = jax.random.normal(ks[4], (HIDDEN_DIM, CONTEXT_DIM), dtype=jnp.float32) * 0.05
    b2 = jnp.zeros((CONTEXT_DIM,), dtype=jnp.float32)
    return {"x": x, "mask": mask, "emb": emb, "W1": W1, "b1": b1, "W2": W2, "b2": b2}


def reference(x, mask, emb, W1, b1, W2, b2):
    # nn.Sequential(Embedding, ReLU, Linear, ReLU, Linear)
    z = jnp.take(emb, x, axis=0)              # embedding lookup [B, L, hidden]
    z = jax.nn.relu(z)
    z = z @ W1 + b1
    z = jax.nn.relu(z)
    z = z @ W2 + b2                           # [B, L, context_dim]
    z = z * mask[..., None]                   # mask.unsqueeze(2)
    return z

if __name__ == "__main__":
    import jax
    _d = setup_inputs()
    print(jax.jit(kernel)(*tuple(_d.values())))

</pallas_src>

<mosaic_0001>
#map = affine_map<(d0, d1) -> (0, 0)>
#map1 = affine_map<(d0, d1) -> (0)>
module attributes {stable_mosaic.version = 14 : i64} {
  func.func @_sc_body(%arg0: i32, %arg1: i32, %arg2: memref<100000x16xbf16, #tpu.memory_space<hbm>>, %arg3: memref<3276800xi32, #tpu.memory_space<hbm>>, %arg4: memref<3276800x16xbf16, #tpu.memory_space<hbm>>, %arg5: memref<100000x16xbf16, #tpu.memory_space<vmem_shared>>, %arg6: memref<1600xi32, #tpu.memory_space<vmem>>, %arg7: memref<1600x16xbf16, #tpu.memory_space<vmem>>, %arg8: memref<!tpu.dma_semaphore, #tpu.memory_space<semaphore_mem>>) attributes {dimension_semantics = [#tpu.dimension_semantics<core_parallel>, #tpu.dimension_semantics<subcore_parallel>], iteration_bounds = array<i64: 2, 16>, scalar_prefetch = 0 : i64, scratch_operands = 4 : i64, tpu.core_type = #tpu.core_type<sc_vector_subcore>, window_params = [{transform_indices = #map}, {transform_indices = #map1}, {transform_indices = #map}]} {
    %mul3A = arith.constant 2 : i32
    %mul3A_0 = arith.muli %arg1, %mul3A : i32
    %add3A = arith.addi %mul3A_0, %arg0 : i32
    %mul3A_1 = arith.constant 102400 : i32
    %mul3A_2 = arith.muli %add3A, %mul3A_1 : i32
    %mul3A_3 = arith.constant 6256 : i32
    %mul3A_4 = arith.muli %arg1, %mul3A_3 : i32
    %lt3A = arith.constant 15 : i32
    %lt3A_5 = arith.cmpi slt, %arg1, %lt3A : i32
    %convert_element_type3A = arith.extui %lt3A_5 : i1 to i32
    %cond3A = arith.constant 0 : i32
    %cond3A_6 = arith.cmpi ne, %convert_element_type3A, %cond3A : i32
    scf.if %cond3A_6 {
      "tpu.region"() ({
        %run_scoped3A = tpu.sem_alloc : memref<!tpu.dma_semaphore, #tpu.memory_space<semaphore_mem>>
        %dma_start3A = arith.constant 0 : i32
        %dma_start3A_16 = tpu.memref_slice %arg5[%mul3A_4, %dma_start3A] : memref<100000x16xbf16, #tpu.memory_space<vmem_shared>> -> memref<6256x16xbf16, #tpu.memory_space<vmem_shared>>
        %dma_start3A_17 = arith.constant 0 : i32
        %dma_start3A_18 = tpu.memref_slice %arg2[%mul3A_4, %dma_start3A_17] : memref<100000x16xbf16, #tpu.memory_space<hbm>> -> memref<6256x16xbf16, #tpu.memory_space<hbm>>
        tpu.enqueue_dma source(%dma_start3A_18 : memref<6256x16xbf16, #tpu.memory_space<hbm>>) target(%dma_start3A_16 : memref<6256x16xbf16, #tpu.memory_space<vmem_shared>>) target_semaphore(%run_scoped3A : memref<!tpu.dma_semaphore, #tpu.memory_space<semaphore_mem>>)
        %dma_wait3A = arith.constant 0 : i32
        %dma_wait3A_19 = tpu.memref_slice %arg5[%mul3A_4, %dma_wait3A] : memref<100000x16xbf16, #tpu.memory_space<vmem_shared>> -> memref<6256x16xbf16, #tpu.memory_space<vmem_shared>>
        %dma_wait3A_20 = arith.constant 0 : i32
        %dma_wait3A_21 = tpu.memref_slice %arg2[%mul3A_4, %dma_wait3A_20] : memref<100000x16xbf16, #tpu.memory_space<hbm>> -> memref<6256x16xbf16, #tpu.memory_space<hbm>>
        tpu.wait_dma2 semaphore(%run_scoped3A : memref<!tpu.dma_semaphore, #tpu.memory_space<semaphore_mem>>) src(%dma_wait3A_21 : memref<6256x16xbf16, #tpu.memory_space<hbm>>) dst(%dma_wait3A_19 : memref<6256x16xbf16, #tpu.memory_space<vmem_shared>>)
        tpu.yield
      }) : () -> ()
    } else {
    }
    %eq3A = arith.constant 15 : i32
    %eq3A_7 = arith.cmpi eq, %arg1, %eq3A : i32
    %convert_element_type3A_8 = arith.extui %eq3A_7 : i1 to i32
    %cond3A_9 = arith.constant 0 : i32
    %cond3A_10 = arith.cmpi ne, %convert_element_type3A_8, %cond3A_9 : i32
    scf.if %cond3A_10 {
      "tpu.region"() ({
        %run_scoped3A = tpu.sem_alloc : memref<!tpu.dma_semaphore, #tpu.memory_space<semaphore_mem>>
        %dma_start3A = arith.constant 93840 : i32
        %dma_start3A_16 = arith.constant 0 : i32
        %dma_start3A_17 = tpu.memref_slice %arg5[%dma_start3A, %dma_start3A_16] : memref<100000x16xbf16, #tpu.memory_space<vmem_shared>> -> memref<6160x16xbf16, #tpu.memory_space<vmem_shared>>
        %dma_start3A_18 = arith.constant 93840 : i32
        %dma_start3A_19 = arith.constant 0 : i32
        %dma_start3A_20 = tpu.memref_slice %arg2[%dma_start3A_18, %dma_start3A_19] : memref<100000x16xbf16, #tpu.memory_space<hbm>> -> memref<6160x16xbf16, #tpu.memory_space<hbm>>
        tpu.enqueue_dma source(%dma_start3A_20 : memref<6160x16xbf16, #tpu.memory_space<hbm>>) target(%dma_start3A_17 : memref<6160x16xbf16, #tpu.memory_space<vmem_shared>>) target_semaphore(%run_scoped3A : memref<!tpu.dma_semaphore, #tpu.memory_space<semaphore_mem>>)
        %dma_wait3A = arith.constant 93840 : i32
        %dma_wait3A_21 = arith.constant 0 : i32
        %dma_wait3A_22 = tpu.memref_slice %arg5[%dma_wait3A, %dma_wait3A_21] : memref<100000x16xbf16, #tpu.memory_space<vmem_shared>> -> memref<6160x16xbf16, #tpu.memory_space<vmem_shared>>
        %dma_wait3A_23 = arith.constant 93840 : i32
        %dma_wait3A_24 = arith.constant 0 : i32
        %dma_wait3A_25 = tpu.memref_slice %arg2[%dma_wait3A_23, %dma_wait3A_24] : memref<100000x16xbf16, #tpu.memory_space<hbm>> -> memref<6160x16xbf16, #tpu.memory_space<hbm>>
        tpu.wait_dma2 semaphore(%run_scoped3A : memref<!tpu.dma_semaphore, #tpu.memory_space<semaphore_mem>>) src(%dma_wait3A_25 : memref<6160x16xbf16, #tpu.memory_space<hbm>>) dst(%dma_wait3A_22 : memref<6160x16xbf16, #tpu.memory_space<vmem_shared>>)
        tpu.yield
      }) : () -> ()
    } else {
    }
    %barrier3A = arith.constant 0 : index
    tpu.barrier barrier_id(%barrier3A)
    %scan3A = arith.constant 0 : i32
    %scan3A_11 = arith.constant 0 : i32
    %scan3A_12 = arith.constant 64 : i32
    %scan3A_13 = arith.addi %scan3A_11, %scan3A_12 : i32
    %scan3A_14 = arith.constant 1 : i32
    scf.for %scan3A_16 = %scan3A_11 to %scan3A_13 step %scan3A_14  : i32 {
      %mul3A_17 = arith.constant 1600 : i32
      %mul3A_18 = arith.muli %scan3A_16, %mul3A_17 : i32
      %add3A_19 = arith.addi %mul3A_2, %mul3A_18 : i32
      "tpu.region"() ({
        %run_scoped3A = tpu.sem_alloc : memref<!tpu.dma_semaphore, #tpu.memory_space<semaphore_mem>>
        %dma_start3A_24 = tpu.memref_slice %arg3[%add3A_19] : memref<3276800xi32, #tpu.memory_space<hbm>> -> memref<1600xi32, #tpu.memory_space<hbm>>
        %dma_start3A_25 = tpu.memref_slice %arg3[%add3A_19] : memref<3276800xi32, #tpu.memory_space<hbm>> -> memref<1600xi32, #tpu.memory_space<hbm>>
        tpu.enqueue_dma source(%dma_start3A_25 : memref<1600xi32, #tpu.memory_space<hbm>>) target(%arg6 : memref<1600xi32, #tpu.memory_space<vmem>>) target_semaphore(%run_scoped3A : memref<!tpu.dma_semaphore, #tpu.memory_space<semaphore_mem>>)
        %dma_wait3A_26 = tpu.memref_slice %arg3[%add3A_19] : memref<3276800xi32, #tpu.memory_space<hbm>> -> memref<1600xi32, #tpu.memory_space<hbm>>
        %dma_wait3A_27 = tpu.memref_slice %arg3[%add3A_19] : memref<3276800xi32, #tpu.memory_space<hbm>> -> memref<1600xi32, #tpu.memory_space<hbm>>
        tpu.wait_dma2 semaphore(%run_scoped3A : memref<!tpu.dma_semaphore, #tpu.memory_space<semaphore_mem>>) src(%dma_wait3A_27 : memref<1600xi32, #tpu.memory_space<hbm>>) dst(%arg6 : memref<1600xi32, #tpu.memory_space<vmem>>)
        tpu.yield
      }) : () -> ()
      %dma_start3A = arith.constant 0 : i32
      %dma_start3A_20 = arith.constant 0 : i32
      %dma_start3A_21 = tpu.memref_slice %arg5[%dma_start3A, %dma_start3A_20] : memref<100000x16xbf16, #tpu.memory_space<vmem_shared>> -> memref<100000x16xbf16, #tpu.memory_space<vmem_shared>>
      tpu.enqueue_indirect_dma source(%dma_start3A_21 : memref<100000x16xbf16, #tpu.memory_space<vmem_shared>>) target(%arg7 : memref<1600x16xbf16, #tpu.memory_space<vmem>>) offsets(%arg6 : memref<1600xi32, #tpu.memory_space<vmem>>) semaphore(%arg8 : memref<!tpu.dma_semaphore, #tpu.memory_space<semaphore_mem>>)
      %dma_wait3A = arith.constant 0 : i32
      %dma_wait3A_22 = arith.constant 0 : i32
      %dma_wait3A_23 = tpu.memref_slice %arg5[%dma_wait3A, %dma_wait3A_22] : memref<100000x16xbf16, #tpu.memory_space<vmem_shared>> -> memref<100000x16xbf16, #tpu.memory_space<vmem_shared>>
      tpu.wait_indirect_dma semaphore(%arg8 : memref<!tpu.dma_semaphore, #tpu.memory_space<semaphore_mem>>) src(%dma_wait3A_23 : memref<100000x16xbf16, #tpu.memory_space<vmem_shared>>) dst(%arg7 : memref<1600x16xbf16, #tpu.memory_space<vmem>>)
      "tpu.region"() ({
        %run_scoped3A = tpu.sem_alloc : memref<!tpu.dma_semaphore, #tpu.memory_space<semaphore_mem>>
        %dma_start3A_24 = arith.constant 0 : i32
        %dma_start3A_25 = tpu.memref_slice %arg4[%add3A_19, %dma_start3A_24] : memref<3276800x16xbf16, #tpu.memory_space<hbm>> -> memref<1600x16xbf16, #tpu.memory_space<hbm>>
        %dma_start3A_26 = arith.constant 0 : i32
        %dma_start3A_27 = tpu.memref_slice %arg4[%add3A_19, %dma_start3A_26] : memref<3276800x16xbf16, #tpu.memory_space<hbm>> -> memref<1600x16xbf16, #tpu.memory_space<hbm>>
        tpu.enqueue_dma source(%arg7 : memref<1600x16xbf16, #tpu.memory_space<vmem>>) target(%dma_start3A_27 : memref<1600x16xbf16, #tpu.memory_space<hbm>>) target_semaphore(%run_scoped3A : memref<!tpu.dma_semaphore, #tpu.memory_space<semaphore_mem>>)
        %dma_wait3A_28 = arith.constant 0 : i32
        %dma_wait3A_29 = tpu.memref_slice %arg4[%add3A_19, %dma_wait3A_28] : memref<3276800x16xbf16, #tpu.memory_space<hbm>> -> memref<1600x16xbf16, #tpu.memory_space<hbm>>
        %dma_wait3A_30 = arith.constant 0 : i32
        %dma_wait3A_31 = tpu.memref_slice %arg4[%add3A_19, %dma_wait3A_30] : memref<3276800x16xbf16, #tpu.memory_space<hbm>> -> memref<1600x16xbf16, #tpu.memory_space<hbm>>
        tpu.wait_dma2 semaphore(%run_scoped3A : memref<!tpu.dma_semaphore, #tpu.memory_space<semaphore_mem>>) src(%arg7 : memref<1600x16xbf16, #tpu.memory_space<vmem>>) dst(%dma_wait3A_31 : memref<1600x16xbf16, #tpu.memory_space<hbm>>)
        tpu.yield
      }) : () -> ()
    }
    %scan3A_15 = arith.constant 64 : i32
    return
  }
}

module attributes {stable_mosaic.version = 14 : i64} {
  func.func @_table_body(%arg0: i32, %arg1: memref<2000x64xf32, #tpu.memory_space<vmem>>, %arg2: memref<64x64xf32, #tpu.memory_space<vmem>>, %arg3: memref<1x64xf32, #tpu.memory_space<vmem>>, %arg4: memref<64x16xf32, #tpu.memory_space<vmem>>, %arg5: memref<1x16xf32, #tpu.memory_space<vmem>>, %arg6: memref<2000x16xbf16, #tpu.memory_space<vmem>>) attributes {dimension_semantics = [#tpu.dimension_semantics<arbitrary>], iteration_bounds = array<i64: 50>, scalar_prefetch = 0 : i64, scratch_operands = 0 : i64, tpu.core_type = #tpu.core_type<tc>, window_params = [{transform_indices = @transform_0, window_bounds = array<i64: 2000, 64>}, {pipeline_mode = #tpu.pipeline_mode<synchronous>, transform_indices = @transform_1, window_bounds = array<i64: 64, 64>}, {pipeline_mode = #tpu.pipeline_mode<synchronous>, transform_indices = @transform_2, window_bounds = array<i64: 1, 64>}, {pipeline_mode = #tpu.pipeline_mode<synchronous>, transform_indices = @transform_3, window_bounds = array<i64: 64, 16>}, {pipeline_mode = #tpu.pipeline_mode<synchronous>, transform_indices = @transform_4, window_bounds = array<i64: 1, 16>}, {transform_indices = @transform_5, window_bounds = array<i64: 2000, 16>}]} {
    %get3A = arith.constant 0 : index
    %get3A_0 = arith.constant 0 : index
    %get3A_1 = vector.load %arg1[%get3A, %get3A_0] : memref<2000x64xf32, #tpu.memory_space<vmem>>, vector<2000x64xf32>
    %max3A = arith.constant 0.000000e+00 : f32
    %max3A_2 = vector.broadcast %max3A : f32 to vector<2000x64xf32>
    %max3A_3 = arith.maximumf %get3A_1, %max3A_2 : vector<2000x64xf32>
    %get3A_4 = arith.constant 0 : index
    %get3A_5 = arith.constant 0 : index
    %get3A_6 = vector.load %arg2[%get3A_4, %get3A_5] : memref<64x64xf32, #tpu.memory_space<vmem>>, vector<64x64xf32>
    %dot_general3A = arith.constant dense<0.000000e+00> : vector<2000x64xf32>
    %dot_general3A_7 = tpu.matmul %max3A_3, %get3A_6, %dot_general3A {dimension_numbers = #tpu.dot_dimension_numbers<[1], [0], [0], [1], [0, 0, 1, 1], [], []>, transpose_lhs_hint = false} : vector<2000x64xf32>, vector<64x64xf32>, vector<2000x64xf32> -> vector<2000x64xf32>
    %get3A_8 = arith.constant 0 : index
    %get3A_9 = arith.constant 0 : index
    %get3A_10 = vector.load %arg3[%get3A_8, %get3A_9] : memref<1x64xf32, #tpu.memory_space<vmem>>, vector<1x64xf32>
    %add3A = vector.broadcast %get3A_10 : vector<1x64xf32> to vector<2000x64xf32>
    %add3A_11 = arith.addf %dot_general3A_7, %add3A : vector<2000x64xf32>
    %max3A_12 = arith.constant 0.000000e+00 : f32
    %max3A_13 = vector.broadcast %max3A_12 : f32 to vector<2000x64xf32>
    %max3A_14 = arith.maximumf %add3A_11, %max3A_13 : vector<2000x64xf32>
    %get3A_15 = arith.constant 0 : index
    %get3A_16 = arith.constant 0 : index
    %get3A_17 = vector.load %arg4[%get3A_15, %get3A_16] : memref<64x16xf32, #tpu.memory_space<vmem>>, vector<64x16xf32>
    %dot_general3A_18 = arith.constant dense<0.000000e+00> : vector<2000x16xf32>
    %dot_general3A_19 = tpu.matmul %max3A_14, %get3A_17, %dot_general3A_18 {dimension_numbers = #tpu.dot_dimension_numbers<[1], [0], [0], [1], [0, 0, 1, 1], [], []>, transpose_lhs_hint = false} : vector<2000x64xf32>, vector<64x16xf32>, vector<2000x16xf32> -> vector<2000x16xf32>
    %get3A_20 = arith.constant 0 : index
    %get3A_21 = arith.constant 0 : index
    %get3A_22 = vector.load %arg5[%get3A_20, %get3A_21] : memref<1x16xf32, #tpu.memory_space<vmem>>, vector<1x16xf32>
    %add3A_23 = vector.broadcast %get3A_22 : vector<1x16xf32> to vector<2000x16xf32>
    %add3A_24 = arith.addf %dot_general3A_19, %add3A_23 : vector<2000x16xf32>
    %convert_element_type3A = arith.truncf %add3A_24 : vector<2000x16xf32> to vector<2000x16xbf16>
    %swap3A = arith.constant 0 : index
    %swap3A_25 = arith.constant 0 : index
    %swap3A_26 = vector.load %arg6[%swap3A, %swap3A_25] : memref<2000x16xbf16, #tpu.memory_space<vmem>>, vector<2000x16xbf16>
    tpu.vector_store %arg6[%swap3A, %swap3A_25], %convert_element_type3A {strides = array<i32>} : memref<2000x16xbf16, #tpu.memory_space<vmem>>, vector<2000x16xbf16>,
    return
  }
  func.func @transform_0(%arg0: i32) -> (i32, i32) {
    %c0_i32 = arith.constant 0 : i32
    %c0_i32_0 = arith.constant 0 : i32
    return %arg0, %c0_i32 : i32, i32
  }
  func.func @transform_1(%arg0: i32) -> (i32, i32) {
    %c0_i32 = arith.constant 0 : i32
    %c0_i32_0 = arith.constant 0 : i32
    %c0_i32_1 = arith.constant 0 : i32
    return %c0_i32, %c0_i32_0 : i32, i32
  }
  func.func @transform_2(%arg0: i32) -> (i32, i32) {
    %c0_i32 = arith.constant 0 : i32
    %c0_i32_0 = arith.constant 0 : i32
    %c0_i32_1 = arith.constant 0 : i32
    return %c0_i32, %c0_i32_0 : i32, i32
  }
  func.func @transform_3(%arg0: i32) -> (i32, i32) {
    %c0_i32 = arith.constant 0 : i32
    %c0_i32_0 = arith.constant 0 : i32
    %c0_i32_1 = arith.constant 0 : i32
    return %c0_i32, %c0_i32_0 : i32, i32
  }
  func.func @transform_4(%arg0: i32) -> (i32, i32) {
    %c0_i32 = arith.constant 0 : i32
    %c0_i32_0 = arith.constant 0 : i32
    %c0_i32_1 = arith.constant 0 : i32
    return %c0_i32, %c0_i32_0 : i32, i32
  }
  func.func @transform_5(%arg0: i32) -> (i32, i32) {
    %c0_i32 = arith.constant 0 : i32
    %c0_i32_0 = arith.constant 0 : i32
    return %arg0, %c0_i32 : i32, i32
  }
}

module attributes {stable_mosaic.version = 14 : i64} {
  func.func @_mask_body(%arg0: i32, %arg1: memref<128x200x16xbf16, #tpu.memory_space<vmem>>, %arg2: memref<128x200xf32, #tpu.memory_space<vmem>>, %arg3: memref<3200x128xf32, #tpu.memory_space<vmem>>) attributes {dimension_semantics = [#tpu.dimension_semantics<arbitrary>], iteration_bounds = array<i64: 128>, scalar_prefetch = 0 : i64, scratch_operands = 0 : i64, tpu.core_type = #tpu.core_type<tc>, window_params = [{transform_indices = @transform_0, window_bounds = array<i64: 128, 200, 16>}, {transform_indices = @transform_1, window_bounds = array<i64: 128, 200>}, {transform_indices = @transform_2, window_bounds = array<i64: 3200, 128>}]} {
    %get3A = arith.constant 0 : index
    %get3A_0 = arith.constant 0 : index
    %get3A_1 = arith.constant 0 : index
    %get3A_2 = vector.load %arg1[%get3A, %get3A_0, %get3A_1] : memref<128x200x16xbf16, #tpu.memory_space<vmem>>, vector<128x200x16xbf16>
    %convert_element_type3A = arith.extf %get3A_2 : vector<128x200x16xbf16> to vector<128x200x16xf32>
    %get3A_3 = arith.constant 0 : index
    %get3A_4 = arith.constant 0 : index
    %get3A_5 = vector.load %arg2[%get3A_3, %get3A_4] : memref<128x200xf32, #tpu.memory_space<vmem>>, vector<128x200xf32>
    %broadcast_in_dim3A = vector.shape_cast %get3A_5 : vector<128x200xf32> to vector<128x200x1xf32>
    %mul3A = vector.broadcast %broadcast_in_dim3A : vector<128x200x1xf32> to vector<128x200x16xf32>
    %mul3A_6 = arith.mulf %convert_element_type3A, %mul3A : vector<128x200x16xf32>
    %reshape3A = vector.shape_cast %mul3A_6 : vector<128x200x16xf32> to vector<128x3200xf32>
    %transpose3A = tpu.transpose %reshape3A, [1, 0] : vector<128x3200xf32> -> vector<3200x128xf32>
    %swap3A = arith.constant 0 : index
    %swap3A_7 = arith.constant 0 : index
    %swap3A_8 = vector.load %arg3[%swap3A, %swap3A_7] : memref<3200x128xf32, #tpu.memory_space<vmem>>, vector<3200x128xf32>
    tpu.vector_store %arg3[%swap3A, %swap3A_7], %transpose3A {strides = array<i32>} : memref<3200x128xf32, #tpu.memory_space<vmem>>, vector<3200x128xf32>,
    return
  }
  func.func @transform_0(%arg0: i32) -> (i32, i32, i32) {
    %c0_i32 = arith.constant 0 : i32
    %c0_i32_0 = arith.constant 0 : i32
    %c0_i32_1 = arith.constant 0 : i32
    return %arg0, %c0_i32, %c0_i32_0 : i32, i32, i32
  }
  func.func @transform_1(%arg0: i32) -> (i32, i32) {
    %c0_i32 = arith.constant 0 : i32
    %c0_i32_0 = arith.constant 0 : i32
    return %arg0, %c0_i32 : i32, i32
  }
  func.func @transform_2(%arg0: i32) -> (i32, i32) {
    %c0_i32 = arith.constant 0 : i32
    %c0_i32_0 = arith.constant 0 : i32
    return %c0_i32, %arg0 : i32, i32
  }
}

</mosaic_0001>

<sc_bundles>
// kernel: kernel.5.cloned.1.call-start
scs
__scs_entry_jumppad:
0x0: {  	(pc) =	sbr.rel $0x88, $3  }
0x1: {  	(tag) =	ssettag $0x0;
	lr =	simm.s32 $0x1  }
0x2: {  	[smem:$0x3F9A] =	sst lr;
	_ =	strace $0xD0000000  }
0x3: {  	_ = 	snop  }
0x4: {  	_ = 	snop  }
0x5: {  	_ = 	snop  }
0x6: {  	_ = 	snop  }
0x7: {  	_ = 	snop  }
__scs_overlays_trampoline_lowered:
0x8: {  	[smem:$0x3FA9] =	sst s0  }
0x9: {  	[smem:$0x3FAA] =	sst s1  }
0xa: {  	[smem:$0x3FAB] =	sst s2  }
0xb: {  	[smem:$0x3FAC] =	sst s3  }
0xc: {  	[smem:$0x3FAD] =	sst s4  }
0xd: {  	[smem:$0x3FAE] =	sst s5  }
0xe: {  	[smem:$0x3FAF] =	sst s6  }
0xf: {  	[smem:$0x3FB0] =	sst s7  }
0x10: {  	[smem:$0x3FB1] =	sst s8  }
0x11: {  	[smem:$0x3FB2] =	sst s9;
	s0 =	simm.s32 @!p0 $0x0  }
0x12: {  	s1 =	sld [smem:$0x3F98];
	s0 =	simm.s32 @p0 $0x1  }
0x13: {  	[smem:$0x3FB3] =	sst s0;
	s0 =	simm.s32 @!p1 $0x0  }
0x14: {  	s2 =	sld [smem:$0x3F97];
	s0 =	simm.s32 @p1 $0x1  }
0x15: {  	[smem:$0x3FB4] =	sst s0;
	s0 =	simm.s32 @!p2 $0x0  }
0x16: {  	s3 =	sld [smem:$0x3FDB];
	s0 =	simm.s32 @p2 $0x1  }
0x17: {  	s4 =	simm.s32 $0x1BF5;
	[smem:$0x3FB6] =	sst s0  }
0x18: {  	s0 =	sld [smem:$0x3F99];
	_ =	swait.ge [sflag:s4], $0x0  }
0x19: {  	s7 =	sld [smem:$0x3F9A]  }
0x1a: {  	s8 =	sadd.s32 $0xFFFFE003, lr  }
0x1b: {  	s9 =	sadd.s32 $0xFFFFFEF7, lr;
	s5 =	simm.s32 $0xFFFFFFFF;
	p2 =	slt.u32 s8, $0xFFFFF086  }
0x1c: {  	p1 =	slt.u32 s9, $0xF7A;
	s5 =	simm.s32 @!p2 $0x0  }
0x1d: {  	s5 =	simm.s32 @p1 $0x1;
	p0 =	seq.s32 s7, s2  }
0x1e: {  	s7 =	smul.u32 @!p0 $0xF7A, s2;
	p2 =	seq.s32 @!p0 s5, $0x0  }
0x1f: {  	s9 =	smul.u32 $0xF7A, s1;
	s8 =	simm.s32 @!p0 $0x1BF5;
	p2 =	por !p2, p0  }
0x20: {  	[sflag:s8] =	ssyncset.s32 @!p0 $0xFFFFF086;
	s6 =	sadd.s32 @!p0 s3, s7;
	s7 =	simm.s32 @!p0 $0x108  }
0x21: {  	s3 =	sadd.s32 s3, s9;
	s6 =	sadd.s32 @!p0 $0x88, s6;
	s7 =	simm.s32 @p2 $0x1082  }
0x22: {  	[simem:s7], [sflag:s8] =	dma.local @!p0 [hbm:s6], $0xF7A  }
0x23: {  	s9 =	sor.u32 $0xD0000000, s2;
	s6 =	simm.s32 $0x108;
	_ =	swait.ge @!p0 [sflag:s8], $0x0  }
0x24: {  	s3 =	sadd.s32 $0x88, s3;
	s6 =	simm.s32 @!p1 $0x1082;
	[sflag:s4] =	ssyncset.s32 $0xFFFFF086  }
0x25: {  	[simem:s6], [sflag:s4] =	dma.local [hbm:s3], $0xF7A  }
0x26: {  	[smem:$0x3F9A] =	sst s1;
	(tag) =	ssettag s2;
	_ =	strace s9  }
0x27: {  	s1 =	sld [smem:$0x3FAA]  }
0x28: {  	s2 =	sld [smem:$0x3FAB]  }
0x29: {  	s4 =	sld [smem:$0x3FAD]  }
0x2a: {  	p0 =	seq.s32 s5, $0x0;
	s5 =	sld [smem:$0x3FAE]  }
0x2b: {  	s6 =	sld [smem:$0x3FAF]  }
0x2c: {  	s7 =	sld [smem:$0x3FB0]  }
0x2d: {  	s3 =	simm.s32 $0x108;
	s8 =	sld [smem:$0x3FB1]  }
0x2e: {  	s3 =	simm.s32 @!p0 $0x1082;
	s9 =	sld [smem:$0x3FB2]  }
0x2f: {  	lr =	sadd.s32 s0, s3;
	s0 =	sld [smem:$0x3FA9]  }
0x30: {  	s3 =	sld [smem:$0x3FAC]  }
0x31: {  	[smem:$0x3FB5] =	sst s10  }
0x32: {  	s10 =	sld [smem:$0x3FB3];
	_ =	sdelay $0x3  }
0x33: {  	p0 =	seq.s32 s10, $0x1;
	s10 =	sld [smem:$0x3FB5];
	_ =	sdelay $0x3  }
0x34: {  	[smem:$0x3FB5] =	sst s10  }
0x35: {  	s10 =	sld [smem:$0x3FB4];
	_ =	sdelay $0x3  }
0x36: {  	p1 =	seq.s32 s10, $0x1;
	s10 =	sld [smem:$0x3FB5];
	_ =	sdelay $0x3  }
0x37: {  	[smem:$0x3FB5] =	sst s10  }
0x38: {  	s10 =	sld [smem:$0x3FB6]  }
0x39: {  	_ = 	snop;
	(pc) =	sbr.ind lr, $3  }
0x3a: {  	_ = 	snop  }
0x3b: {  	_ = 	snop  }
0x3c: {  	p2 =	seq.s32 s10, $0x1;
	s10 =	sld [smem:$0x3FB5]  }
0x3d: {  	_ =	shalt  }
0x3e: {  	_ =	shalt  }
0x3f: {  	_ =	shalt  }
0x40: {  	_ =	shalt  }
0x41: {  	_ =	shalt  }
0x42: {  	_ =	shalt  }
0x43: {  	_ =	shalt  }
0x44: {  	_ =	shalt  }
0x45: {  	_ =	shalt  }
0x46: {  	_ =	shalt  }
0x47: {  	_ =	shalt  }
0x48: {  	_ =	shalt  }
0x49: {  	_ =	shalt  }
0x4a: {  	_ =	shalt  }
0x4b: {  	_ =	shalt  }
0x4c: {  	_ =	shalt  }
0x4d: {  	_ =	shalt  }
0x4e: {  	_ =	shalt  }
0x4f: {  	_ =	shalt  }
0x50: {  	_ =	shalt  }
0x51: {  	_ =	shalt  }
0x52: {  	_ =	shalt  }
0x53: {  	_ =	shalt  }
0x54: {  	_ =	shalt  }
0x55: {  	_ =	shalt  }
0x56: {  	_ =	shalt  }
0x57: {  	_ =	shalt  }
0x58: {  	_ =	shalt  }
0x59: {  	_ =	shalt  }
0x5a: {  	_ =	shalt  }
0x5b: {  	_ =	shalt  }
0x5c: {  	_ =	shalt  }
0x5d: {  	_ =	shalt  }
0x5e: {  	_ =	shalt  }
0x5f: {  	_ =	shalt  }
0x60: {  	_ =	shalt  }
0x61: {  	_ =	shalt  }
0x62: {  	_ =	shalt  }
0x63: {  	_ =	shalt  }
0x64: {  	_ =	shalt  }
0x65: {  	_ =	shalt  }
0x66: {  	_ =	shalt  }
0x67: {  	_ =	shalt  }
0x68: {  	_ =	shalt  }
0x69: {  	_ =	shalt  }
0x6a: {  	_ =	shalt  }
0x6b: {  	_ =	shalt  }
0x6c: {  	_ =	shalt  }
0x6d: {  	_ =	shalt  }
0x6e: {  	_ =	shalt  }
0x6f: {  	_ =	shalt  }
0x70: {  	_ =	shalt  }
0x71: {  	_ =	shalt  }
0x72: {  	_ =	shalt  }
0x73: {  	_ =	shalt  }
0x74: {  	_ =	shalt  }
0x75: {  	_ =	shalt  }
0x76: {  	_ =	shalt  }
0x77: {  	_ =	shalt  }
0x78: {  	_ =	shalt  }
0x79: {  	_ =	shalt  }
0x7a: {  	_ =	shalt  }
0x7b: {  	_ =	shalt  }
0x7c: {  	_ =	shalt  }
0x7d: {  	_ =	shalt  }
0x7e: {  	_ =	shalt  }
0x7f: {  	_ =	shalt  }
0x80: {  	_ =	shalt  }
0x81: {  	_ =	shalt  }
0x82: {  	_ =	shalt  }
0x83: {  	_ =	shalt  }
0x84: {  	_ =	shalt  }
0x85: {  	_ =	shalt  }
0x86: {  	_ =	shalt  }
0x87: {  	_ =	shalt  }
.Lfunc_end0:
.L_simem_size_0:
called_computation_lowered:
.L_overlay_start_0:
0x88: {  	s2 =	sld [smem:$0x3FD9]  }
0x89: {  	s3 =	sld [smem:$0x3FFE];
	_ =	sdelay $0x1  }
0x8a: {  	s1 =	srdreg.scid  }
0x8b: {  	s0 =	sand.u32 $0x1, s1  }
0x8c: {  	s17 =	sshll.u32 s0, $0xA;
	s2 =	sadd.s32 s3, s2  }
0x8d: {  	s2 =	sadd.s32 s2, s17  }
0x8e: {  	[smem:$0x3FC1] =	sst s2  }
0x8f: {  	_ = 	snop  }
0x90: {  	s2 =	sld [smem:$0x3FD0];
	(tm) =	ssettm $0x1  }
0x91: {  	s18 =	sld [smem:$0x3FFB];
	_ =	sdelay $0x3  }
0x92: {  	_ =	strace s18  }
0x93: {  	s3 =	sld [smem:$0x3FFC];
	_ =	sdelay $0x3  }
0x94: {  	_ =	strace s3  }
0x95: {  	s3 =	sld [smem:$0x3FFD];
	_ =	sdelay $0x3  }
0x96: {  	_ =	strace s3  }
0x97: {  	_ =	strace $0x8FFFFFFF  }
0x98: {  	s19 =	sld [smem:$0x3FDB];
	_ =	sdelay $0x1  }
0x99: {  	s4 =	simm.s32 $_scs_section_size  }
0x9a: {  	s5 =	simm.s32 $_size__tile_overlayer_lowered;
	s6 =	simm.s32 $_tile_overlayer_lowered  }
0x9b: {  	s22 =	simm.s32 $0x1BFF;
	s21 =	sshll.u32 s6, $0x1;
	s3 =	sadd.s32 s4, s19  }
0x9c: {  	s7 =	simm.s32 $0x0;
	s20 =	sshll.u32 s5, $0x1;
	s5 =	sadd.s32 s21, s3  }
0x9d: {  	[timem:s7], [sflag:s22] =	dma.local [hbm:s5], s20  }
0x9e: {  	_ =	swait.ge [sflag:s22], s20  }
0x9f: {  	s4 =	ssub.s32 $0x0, s20;
	[sflag:s22] =	ssyncset.done $0x0  }
0xa0: {  	[sflag:s22] =	ssyncadd.s32 s4;
	_ =	sdelay $0x1  }
0xa1: {  	s23 =	simm.s32 $0x1B8B  }
0xa2: {  	_ =	swait.ge [sflag:s23], $0x1  }
0xa3: {  	[sflag:s23] =	ssyncset.done $0x0  }
0xa4: {  	s25 =	simm.s32 $0x1B8E;
	s24 =	sld [smem:$0x3FFE];
	[sflag:s23] =	ssyncadd.s32 $0xFFFFFFFF  }
0xa5: {  	s26 =	simm.s32 $execute0_lowered;
	[smem:$0x3FD2] =	sst s25  }
0xa6: {  	s5 =	sshll.u32 s26, $0x1;
	_ =	strace $0x80000046;
	[dreg:$0x1] =	wrdreg $0xFFFFFFFF  }
0xa7: {  	s28 =	simm.s32 $_size_execute0_lowered;
	s3 =	sadd.s32 s3, s5;
	[dreg:$0x0] =	wrdreg $0x0  }
0xa8: {  	s5 =	sshll.u32 s28, $0x1;
	[dreg:$0x2] =	wrdreg s3  }
0xa9: {  	[dreg:$0x3] =	wrdreg s5  }
0xaa: {  	[dreg:$0x4] =	wrdreg $0xC0  }
0xab: {  	_ =	task [dreg:s7], $0x5FFFF  }
0xac: {  	[dreg:$0x1] =	wrdreg $0xFFFFFFFF  }
0xad: {  	[dreg:$0x0] =	wrdreg $0x60  }
0xae: {  	[dreg:$0x2] =	wrdreg s2  }
0xaf: {  	[dreg:$0x3] =	wrdreg s24  }
0xb0: {  	[dreg:$0x4] =	wrdreg $0x0  }
0xb1: {  	[dreg:$0x5] =	wrdreg $0x9  }
0xb2: {  	_ =	task.clear_ibuf [dreg:s7], $0x6FFFF;
	_ =	strace $0x90000046  }
0xb3: {  	s29 =	simm.s32 $0x9;
	_ =	strace $0x80000048  }
0xb4: {  	_ =	swait.ge [sflag:s29], $0x1  }
0xb5: {  	[sflag:s29] =	ssyncadd.s32 $0xFFFFFFFF  }
0xb6: {  	_ =	strace $0x90000048  }
0xb7: {  	_ =	sfence  }
0xb8: {  	s30 =	sld [smem:$0x0];
	_ =	sdelay $0x2  }
0xb9: {  	s31 =	sshll.u32 s1, $0xD;
	s1 =	sshrl.u32 s1, $0x2  }
0xba: {  	s3 =	sand.u32 $0x4000, s31;
	s1 =	sadd.s32 s1, s30  }
0xbb: {  	s0 =	sor.u32 s3, s0;
	s1 =	sshll.u32 s1, $0x11  }
0xbc: {  	s0 =	sor.u32 s1, s0  }
0xbd: {  	s0 =	sadd.s32 $0x8F2B, s0  }
0xbe: {  	[sflag:s0] =	ssyncadd.remote.s32 $0x1  }
0xbf: {  	_ =	sfence.sel $0xFFFF  }
0xc0: {  	[dreg:$0x0] =	wrdreg $0xFFFFFFFF;
	(pc) =	sbr.abs _section_cstart, $3  }
0xc1: {  	[dreg:$0x1] =	wrdreg $0xFFFFFFFF  }
0xc2: {  	_ =	task.clear_ibuf [dreg:s7], $0x2FFFF;
	_ =	strace $0x9FFFFFFF  }
0xc3: {  	(tm) =	ssettm $0x7FFFFFFF  }
tec
execute0_lowered:
.L_overlay_start_1:
0x0: {  	(tag) =	ssettag $0x1  }
0x1: {  	s5 =	rddreg [dreg:$0x0]  }
0x2: {  	s4 =	rddreg [dreg:$0x1]  }
0x3: {  	s1 =	srdreg.scid;
	s0 =	stileid.u32  }
0x4: {  	s2 =	rddreg [dreg:$0x2];
	s3 =	simm.s32 $0x0;
	s12 =	simm.s32 $0xC350  }
0x5: {  	s13 =	simm.s32 $0x2;
	s14 =	simm.s32 $0x640;
	s15 =	simm.s32 $0xC990  }
0x6: {  	s16 =	simm.s32 $0x1;
	s17 =	simm.s32 $0x0;
	s7 =	smul.u32 $0x32000, s0  }
0x7: {  	s6 =	sand.u32 $0x1, s1;
	s1 =	rddreg [dreg:$0x3];
	s9 =	smul.u32 $0x18700, s0  }
0x8: {  	[smem:$0x7FF] =	sst s3;
	p0 =	seq.s32 s0, $0xF;
	s8 =	smul.u32 $0x19000, s6  }
0x9: {  	_ =	strace $0x80000047;
	s6 =	ssub.s32 $0x2, s6;
	s10 =	sshll.u32 @!p0 s0, $0x6  }
0xa: {  	s30 =	sshrl.u32 s6, $0x1;
	s31 =	sshrl.u32 s9, $0x1;
	s9 =	sshrl.u32 s9, $0x4  }
0xb: {  	s10 =	sor.u32 @!p0 $0x1C02, s10;
	s7 =	sadd.s32 s8, s7;
	s6 =	ssub.s32 s6, s30  }
0xc: {  	s11 =	sadd.s32 s31, s2;
	s8 =	sshrl.u32 s7, $0x3;
	s7 =	sadd.s32 s7, s4  }
0xd: {  	s6 =	smax.u32 s6, $0x1;
	s11 =	sshrl.u32 @!p0 s11, $0x3;
	s8 =	sadd.s32 s8, s4  }
0xe: {  	s4 =	sadd.s32 s5, s9;
	s9 =	sadd.s32 $0xB7480, s2;
	s5 =	sadd.s32 $0x16E90, s5  }
0xf: {  	s7 =	sadd.s32 $0x65C00, s7;
	s8 =	sadd.s32 $0x1C00, s8;
	s9 =	sshrl.u32 @p0 s9, $0x3  }
.LBB2_1:
0x10: {  	s18 =	simm.s32 @p0 $0x1FC2  }
0x11: {  	[spmem:s9], [sflag:s18] =	dma.local @p0 [hbm:s5], $0x1810  }
0x12: {  	s18 =	simm.s32 @p0 $0x2  }
0x13: {  	_ =	swait.ge @p0 [sflag:s18], $0x1810  }
0x14: {  	[sflag:s18] =	ssyncset.done @p0 $0x0  }
0x15: {  	[sflag:s18] =	ssyncadd.s32 @p0 $0xFFFFE7F0;
	s18 =	simm.s32 @!p0 $0x2  }
0x16: {  	[spmem:s11], [sflag:s10] =	dma.local @!p0 [hbm:s4], $0x1870  }
0x17: {  	_ =	swait.ge @!p0 [sflag:s18], $0x1870  }
0x18: {  	[sflag:s18] =	ssyncset.done @!p0 $0x0  }
0x19: {  	[sflag:s18] =	ssyncadd.s32 @!p0 $0xFFFFE790  }
0x1a: {  	s31 =	sadd.s32 $0x0, s8;
	[bflag:$0x0] =	sbarrier.arrive $0xFFFF  }
0x1b: {  	[tilespmem:s12], [sflag:$0x2] =	stream.linear.gather [hbm4b:s31+s3], $0x640, $0x38;
	[tilespmem:$0xFB90] =	vst v63  }
0x1c: {  	_ =	swait.ge [sflag:s13], $0x640  }
0x1d: {  	[sflag:s13] =	ssyncset.done $0x0  }
0x1e: {  	[sflag:s13] =	ssyncadd.s32 $0xFFFFF9C0  }
0x1f: {  	[tilespmem:s15], [sflag:$0x1] =	stream.indirect.gather [spmem:s2], $0x8, s12, s14, $0xb8;
	[tilespmem:$0xFB90] =	vst v63  }
0x20: {  	_ =	swait.ge [sflag:s16], $0x3200  }
0x21: {  	[sflag:s16] =	ssyncset.done $0x0  }
0x22: {  	[sflag:s16] =	ssyncadd.s32 $0xFFFFCE00  }
0x23: {  	[hbm4b:s7+s3] =	stream.linear.scatter [tilespmem:s15], [sflag:$0x2], $0x3200, $0x38;
	[tilespmem:$0xFB90] =	vst v63  }
0x24: {  	s19 =	simm.s32 $0xC8;
	_ =	swait.ge [sflag:s13], $0x3200  }
0x25: {  	s20 =	simm.s32 $0x190;
	s18 =	sadd.s32 $0x640, s7;
	[sflag:s13] =	ssyncset.done $0x0  }
.LBB2_2:
0x26: {  	s21 =	sadd.s32 s19, s8  }
0x27: {  	[sflag:s13] =	ssyncadd.s32 $0xFFFFCE00;
	s19 =	smov.u32 s20;
	s22 =	sadd.s32 $0xC8, s20  }
0x28: {  	[tilespmem:s12], [sflag:$0x2] =	stream.linear.gather [hbm4b:s21+s3], $0x640, $0x38;
	[tilespmem:$0xFB90] =	vst v63  }
0x29: {  	p1 =	sne.s32 s20, $0x3138;
	_ =	swait.ge [sflag:s13], $0x640  }
0x2a: {  	[sflag:s13] =	ssyncset.done $0x0  }
0x2b: {  	[sflag:s13] =	ssyncadd.s32 $0xFFFFF9C0  }
0x2c: {  	[tilespmem:s15], [sflag:$0x1] =	stream.indirect.gather [spmem:s2], $0x8, s12, s14, $0xb8;
	[tilespmem:$0xFB90] =	vst v63  }
0x2d: {  	_ =	swait.ge [sflag:s16], $0x3200  }
.Ltmp0:
0x2e: {  	[sflag:s16] =	ssyncset.done $0x0;
	(pc) =	sbr.rel @p1 .LBB2_2-.Ltmp0, $4  }
0x2f: {  	[sflag:s16] =	ssyncadd.s32 $0xFFFFCE00  }
0x30: {  	[hbm4b:s18+s3] =	stream.linear.scatter [tilespmem:s15], [sflag:$0x2], $0x3200, $0x38;
	[tilespmem:$0xFB90] =	vst v63  }
0x31: {  	_ =	swait.ge [sflag:s13], $0x3200  }
0x32: {  	s20 =	smov.u32 s22;
	s18 =	sadd.s32 $0x640, s18;
	[sflag:s13] =	ssyncset.done $0x0  }
0x33: {  	s19 =	sadd.s32 s19, s8;
	[sflag:s13] =	ssyncadd.s32 $0xFFFFCE00  }
0x34: {  	[tilespmem:s12], [sflag:$0x2] =	stream.linear.gather [hbm4b:s19+s3], $0x640, $0x38;
	[tilespmem:$0xFB90] =	vst v63  }
0x35: {  	_ =	swait.ge [sflag:s13], $0x640  }
0x36: {  	[sflag:s13] =	ssyncset.done $0x0  }
0x37: {  	[sflag:s13] =	ssyncadd.s32 $0xFFFFF9C0  }
0x38: {  	[tilespmem:s15], [sflag:$0x1] =	stream.indirect.gather [spmem:s2], $0x8, s12, s14, $0xb8;
	[tilespmem:$0xFB90] =	vst v63  }
0x39: {  	s17 =	sadd.s32 $0x1, s17;
	_ =	swait.ge [sflag:s16], $0x3200  }
0x3a: {  	p1 =	sne.s32 s17, s6;
	[sflag:s16] =	ssyncset.done $0x0  }
.Ltmp1:
0x3b: {  	[sflag:s16] =	ssyncadd.s32 $0xFFFFCE00;
	(pc) =	sbr.rel @p1 .LBB2_1-.Ltmp1, $4  }
0x3c: {  	[hbm4b:s18+s3] =	stream.linear.scatter [tilespmem:s15], [sflag:$0x2], $0x3200, $0x38;
	[tilespmem:$0xFB90] =	vst v63  }
0x3d: {  	_ =	swait.ge [sflag:s13], $0x3200  }
0x3e: {  	[sflag:s13] =	ssyncset.done $0x0  }
0x3f: {  	[sflag:s13] =	ssyncadd.s32 $0xFFFFCE00  }
0x40: {  	_ =	sfence.sel $0x180000  }
0x41: {  	[bflag:$0x0] =	sbarrier.arrive $0xFFFF  }
0x42: {  	p0 =	sne.s32 s0, $0x0;
	_ =	strace $0x90000047  }
0x43: {  	s0 =	sadd.s32 @!p0 $0x100000, s1;
	[bflag:$0x2] =	sbarrier.arrive $0xFFFF  }
0x44: {  	[sflag:s0] =	ssyncadd.tile.s32 @!p0 $0x1;
	_ =	shalt  }
.Lfunc_end2:
_tile_overlayer_lowered:
.L_overlay_start_2:
0x45: {  	(tag) =	ssettag $0x2  }
0x46: {  	s0 =	rddreg [dreg:$0x0];
	s2 =	stileid.u32  }
0x47: {  	s1 =	rddreg [dreg:$0x1];
	p0 =	sne.s32 s2, $0x0  }
0x48: {  	s3 =	rddreg [dreg:$0x2];
	[bflag:$0x3] =	sbarrier.arrive $0xFFFF;
	s2 =	simm.s32 @!p0 $0x1C02  }
0x49: {  	[timem:s3], [sflag:s2] =	dma.local @!p0 [hbm:s0], s1  }
0x4a: {  	s0 =	simm.s32 @!p0 $0x2  }
0x4b: {  	_ =	swait.ge @!p0 [sflag:s0], s1  }
0x4c: {  	s1 =	ssub.s32 @!p0 $0x0, s1;
	[sflag:s0] =	ssyncset.done @!p0 $0x0  }
0x4d: {  	[sflag:s0] =	ssyncadd.s32 @!p0 s1  }
0x4e: {  	[bflag:$0x3] =	sbarrier.arrive $0xFFFF  }
0x4f: {  	_ =	shalt  }

</sc_bundles>
